<compile_context>
chip_gen: v7x
topology: tpu7x:2x2x1
jax: 0.10.2.dev20260603
libtpu: 0.0.44.dev20260713+nightly
codegen_flags: <defaults>
</compile_context>

<pallas_src>
import functools

import jax
import jax.numpy as jnp
from jax import lax
from jax.experimental import pallas as pl
from jax.experimental.pallas import tpu as pltpu
from jax.experimental.pallas import tpu_sc as plsc

BATCH = 32
SEQ_LEN = 8192
D = 128
NUM_EMB = 6
TOTAL = BATCH * SEQ_LEN
NUM_CORES = 2
NUM_SUBCORES = 16
NW = NUM_CORES * NUM_SUBCORES
BPW = TOTAL // NW
CH = 128
NCH = BPW // CH
NBUF = 2

_mesh = plsc.VectorSubcoreMesh(core_axis_name="c", subcore_axis_name="s")


@functools.partial(
    pl.kernel,
    mesh=_mesh,
    out_type=jax.ShapeDtypeStruct((TOTAL, D), jnp.float32),
    scratch_types=[
        pltpu.VMEM((NCH, CH), jnp.int32),
        pltpu.VMEM_SHARED((NUM_EMB, D), jnp.float32),
        pltpu.VMEM((NBUF, CH, D), jnp.float32),
        pltpu.SemaphoreType.DMA,
        pltpu.SemaphoreType.DMA,
        pltpu.SemaphoreType.DMA,
        pltpu.SemaphoreType.DMA,
    ],
)
def _emb_lookup(x_hbm, table_hbm, out_hbm, idx_v, tab_v, rows_v,
                gsem0, gsem1, wsem0, wsem1):
    wid = lax.axis_index("s") * NUM_CORES + lax.axis_index("c")
    base = wid * BPW
    gsem = (gsem0, gsem1)
    wsem = (wsem0, wsem1)

    @pl.when(lax.axis_index("s") == 0)
    def _():
        pltpu.sync_copy(table_hbm, tab_v)

    pltpu.sync_copy(x_hbm.at[pl.ds(wid * NCH, NCH)], idx_v)
    plsc.subcore_barrier()

    for b in range(NBUF):
        pltpu.async_copy(tab_v.at[idx_v.at[b]], rows_v.at[b], gsem[b])

    def body(j, _):
        for b in range(NBUF):
            jj = j + b
            pltpu.make_async_copy(tab_v.at[idx_v.at[jj]], rows_v.at[b],
                                  gsem[b]).wait()
            pltpu.async_copy(rows_v.at[b],
                             out_hbm.at[pl.ds(base + jj * CH, CH)], wsem[b])
            pltpu.make_async_copy(
                rows_v.at[b], out_hbm.at[pl.ds(base + jj * CH, CH)],
                wsem[b]).wait()

            @pl.when(jj + NBUF < NCH)
            def _(jj=jj, b=b):
                pltpu.async_copy(tab_v.at[idx_v.at[jj + NBUF]],
                                 rows_v.at[b], gsem[b])
        return ()

    lax.fori_loop(0, NCH // NBUF, lambda i, c: body(i * NBUF, c), (),
                  unroll=False)


def kernel(x, table):
    x2 = x.reshape(TOTAL // CH, CH).astype(jnp.int32)
    out = _emb_lookup(x2, table)
    return out.reshape(BATCH, SEQ_LEN, D)

# --- scband reference (transcript-rebuilt; emitter-appended) ---
"""Pipeline reference for scband-dnaembedding-4827543241040 (READ-ONLY COPY).

The authoritative reference and input builder live on the scoring server;
editing this copy changes nothing except your own understanding.
"""

import jax, jax.numpy as jnp
import numpy as np

D_MODEL = 128
VOCAB_SIZE = 5  # ACGTN
NUM_EMB = VOCAB_SIZE + 1  # +1, padding_idx=0
BATCH = 32
SEQ_LEN = 8192


def setup_inputs(seed: int = 0) -> dict:
    key = jax.random.key(seed)
    k_idx, k_tab = jax.random.split(key)
    x = jax.random.randint(k_idx, (BATCH, SEQ_LEN), 0, NUM_EMB, dtype=jnp.int64 if jax.config.jax_enable_x64 else jnp.int32)
    table = jax.random.normal(k_tab, (NUM_EMB, D_MODEL), dtype=jnp.float32)
    # nn.Embedding(padding_idx=0) initializes the padding row to zeros
    table = table.at[0].set(0.0)
    return {"x": x, "table": table}


def reference(x, table):
    # DNAEmbedding.forward: return self.embedding(x)
    # padding_idx=0 row is zero (enforced at init); lookup is a plain gather
    return jnp.take(table, x, axis=0)

if __name__ == "__main__":
    import jax
    _d = setup_inputs()
    print(jax.jit(kernel)(*tuple(_d.values())))

</pallas_src>

<mosaic_0001>
#map = affine_map<(d0, d1) -> (0, 0)>
module attributes {stable_mosaic.version = 14 : i64} {
  func.func @_emb_lookup(%arg0: i32, %arg1: i32, %arg2: memref<2048x128xi32, #tpu.memory_space<hbm>>, %arg3: memref<6x128xf32, #tpu.memory_space<hbm>>, %arg4: memref<262144x128xf32, #tpu.memory_space<hbm>>, %arg5: memref<64x128xi32, #tpu.memory_space<vmem>>, %arg6: memref<6x128xf32, #tpu.memory_space<vmem_shared>>, %arg7: memref<2x128x128xf32, #tpu.memory_space<vmem>>, %arg8: memref<!tpu.dma_semaphore, #tpu.memory_space<semaphore_mem>>, %arg9: memref<!tpu.dma_semaphore, #tpu.memory_space<semaphore_mem>>, %arg10: memref<!tpu.dma_semaphore, #tpu.memory_space<semaphore_mem>>, %arg11: memref<!tpu.dma_semaphore, #tpu.memory_space<semaphore_mem>>) attributes {dimension_semantics = [#tpu.dimension_semantics<core_parallel>, #tpu.dimension_semantics<subcore_parallel>], iteration_bounds = array<i64: 2, 16>, scalar_prefetch = 0 : i64, scratch_operands = 7 : i64, tpu.core_type = #tpu.core_type<sc_vector_subcore>, window_params = [{transform_indices = #map}, {transform_indices = #map}, {transform_indices = #map}]} {
    %mul3A = arith.constant 2 : i32
    %mul3A_0 = arith.muli %arg1, %mul3A : i32
    %add3A = arith.addi %mul3A_0, %arg0 : i32
    %mul3A_1 = arith.constant 8192 : i32
    %mul3A_2 = arith.muli %add3A, %mul3A_1 : i32
    %eq3A = arith.constant 0 : i32
    %eq3A_3 = arith.cmpi eq, %arg1, %eq3A : i32
    %convert_element_type3A = arith.extui %eq3A_3 : i1 to i32
    %cond3A = arith.constant 0 : i32
    %cond3A_4 = arith.cmpi ne, %convert_element_type3A, %cond3A : i32
    scf.if %cond3A_4 {
      "tpu.region"() ({
        %run_scoped3A = tpu.sem_alloc : memref<!tpu.dma_semaphore, #tpu.memory_space<semaphore_mem>>
        tpu.enqueue_dma source(%arg3 : memref<6x128xf32, #tpu.memory_space<hbm>>) target(%arg6 : memref<6x128xf32, #tpu.memory_space<vmem_shared>>) target_semaphore(%run_scoped3A : memref<!tpu.dma_semaphore, #tpu.memory_space<semaphore_mem>>)
        tpu.wait_dma2 semaphore(%run_scoped3A : memref<!tpu.dma_semaphore, #tpu.memory_space<semaphore_mem>>) src(%arg3 : memref<6x128xf32, #tpu.memory_space<hbm>>) dst(%arg6 : memref<6x128xf32, #tpu.memory_space<vmem_shared>>)
        tpu.yield
      }) : () -> ()
    } else {
    }
    %mul3A_5 = arith.constant 64 : i32
    %mul3A_6 = arith.muli %add3A, %mul3A_5 : i32
    "tpu.region"() ({
      %run_scoped3A = tpu.sem_alloc : memref<!tpu.dma_semaphore, #tpu.memory_space<semaphore_mem>>
      %dma_start3A_34 = arith.constant 0 : i32
      %dma_start3A_35 = tpu.memref_slice %arg2[%mul3A_6, %dma_start3A_34] : memref<2048x128xi32, #tpu.memory_space<hbm>> -> memref<64x128xi32, #tpu.memory_space<hbm>>
      %dma_start3A_36 = arith.constant 0 : i32
      %dma_start3A_37 = tpu.memref_slice %arg2[%mul3A_6, %dma_start3A_36] : memref<2048x128xi32, #tpu.memory_space<hbm>> -> memref<64x128xi32, #tpu.memory_space<hbm>>
      tpu.enqueue_dma source(%dma_start3A_37 : memref<64x128xi32, #tpu.memory_space<hbm>>) target(%arg5 : memref<64x128xi32, #tpu.memory_space<vmem>>) target_semaphore(%run_scoped3A : memref<!tpu.dma_semaphore, #tpu.memory_space<semaphore_mem>>)
      %dma_wait3A = arith.constant 0 : i32
      %dma_wait3A_38 = tpu.memref_slice %arg2[%mul3A_6, %dma_wait3A] : memref<2048x128xi32, #tpu.memory_space<hbm>> -> memref<64x128xi32, #tpu.memory_space<hbm>>
      %dma_wait3A_39 = arith.constant 0 : i32
      %dma_wait3A_40 = tpu.memref_slice %arg2[%mul3A_6, %dma_wait3A_39] : memref<2048x128xi32, #tpu.memory_space<hbm>> -> memref<64x128xi32, #tpu.memory_space<hbm>>
      tpu.wait_dma2 semaphore(%run_scoped3A : memref<!tpu.dma_semaphore, #tpu.memory_space<semaphore_mem>>) src(%dma_wait3A_40 : memref<64x128xi32, #tpu.memory_space<hbm>>) dst(%arg5 : memref<64x128xi32, #tpu.memory_space<vmem>>)
      tpu.yield
    }) : () -> ()
    %barrier3A = arith.constant 0 : index
    tpu.barrier barrier_id(%barrier3A)
    %dma_start3A = arith.constant 0 : i32
    %dma_start3A_7 = arith.constant 0 : i32
    %dma_start3A_8 = arith.constant 0 : i32
    %dma_start3A_9 = arith.constant 0 : i32
    %dma_start3A_10 = tpu.memref_slice %arg7[%dma_start3A_7, %dma_start3A_8, %dma_start3A_9] : memref<2x128x128xf32, #tpu.memory_space<vmem>> -> memref<1x128x128xf32, #tpu.memory_space<vmem>>
    %dma_start3A_11 = tpu.memref_squeeze %dma_start3A_10 : memref<1x128x128xf32, #tpu.memory_space<vmem>> -> memref<128x128xf32, #tpu.memory_space<vmem>>
    %dma_start3A_12 = arith.constant 0 : i32
    %dma_start3A_13 = tpu.memref_slice %arg5[%dma_start3A, %dma_start3A_12] : memref<64x128xi32, #tpu.memory_space<vmem>> -> memref<1x128xi32, #tpu.memory_space<vmem>>
    %dma_start3A_14 = tpu.memref_squeeze %dma_start3A_13 : memref<1x128xi32, #tpu.memory_space<vmem>> -> memref<128xi32, #tpu.memory_space<vmem>>
    %dma_start3A_15 = arith.constant 0 : i32
    %dma_start3A_16 = arith.constant 0 : i32
    %dma_start3A_17 = tpu.memref_slice %arg6[%dma_start3A_15, %dma_start3A_16] : memref<6x128xf32, #tpu.memory_space<vmem_shared>> -> memref<6x128xf32, #tpu.memory_space<vmem_shared>>
    tpu.enqueue_indirect_dma source(%dma_start3A_17 : memref<6x128xf32, #tpu.memory_space<vmem_shared>>) target(%dma_start3A_11 : memref<128x128xf32, #tpu.memory_space<vmem>>) offsets(%dma_start3A_14 : memref<128xi32, #tpu.memory_space<vmem>>) semaphore(%arg8 : memref<!tpu.dma_semaphore, #tpu.memory_space<semaphore_mem>>)
    %dma_start3A_18 = arith.constant 1 : i32
    %dma_start3A_19 = arith.constant 1 : i32
    %dma_start3A_20 = arith.constant 0 : i32
    %dma_start3A_21 = arith.constant 0 : i32
    %dma_start3A_22 = tpu.memref_slice %arg7[%dma_start3A_19, %dma_start3A_20, %dma_start3A_21] : memref<2x128x128xf32, #tpu.memory_space<vmem>> -> memref<1x128x128xf32, #tpu.memory_space<vmem>>
    %dma_start3A_23 = tpu.memref_squeeze %dma_start3A_22 : memref<1x128x128xf32, #tpu.memory_space<vmem>> -> memref<128x128xf32, #tpu.memory_space<vmem>>
    %dma_start3A_24 = arith.constant 0 : i32
    %dma_start3A_25 = tpu.memref_slice %arg5[%dma_start3A_18, %dma_start3A_24] : memref<64x128xi32, #tpu.memory_space<vmem>> -> memref<1x128xi32, #tpu.memory_space<vmem>>
    %dma_start3A_26 = tpu.memref_squeeze %dma_start3A_25 : memref<1x128xi32, #tpu.memory_space<vmem>> -> memref<128xi32, #tpu.memory_space<vmem>>
    %dma_start3A_27 = arith.constant 0 : i32
    %dma_start3A_28 = arith.constant 0 : i32
    %dma_start3A_29 = tpu.memref_slice %arg6[%dma_start3A_27, %dma_start3A_28] : memref<6x128xf32, #tpu.memory_space<vmem_shared>> -> memref<6x128xf32, #tpu.memory_space<vmem_shared>>
    tpu.enqueue_indirect_dma source(%dma_start3A_29 : memref<6x128xf32, #tpu.memory_space<vmem_shared>>) target(%dma_start3A_23 : memref<128x128xf32, #tpu.memory_space<vmem>>) offsets(%dma_start3A_26 : memref<128xi32, #tpu.memory_space<vmem>>) semaphore(%arg9 : memref<!tpu.dma_semaphore, #tpu.memory_space<semaphore_mem>>)
    %scan3A = arith.constant 0 : i32
    %scan3A_30 = arith.constant 32 : i32
    %scan3A_31 = arith.addi %scan3A, %scan3A_30 : i32
    %scan3A_32 = arith.constant 1 : i32
    scf.for %scan3A_34 = %scan3A to %scan3A_31 step %scan3A_32  : i32 {
      %mul3A_35 = arith.constant 2 : i32
      %mul3A_36 = arith.muli %scan3A_34, %mul3A_35 : i32
      %add3A_37 = arith.constant 0 : i32
      %add3A_38 = arith.addi %mul3A_36, %add3A_37 : i32
      %dma_wait3A = arith.constant 0 : i32
      %dma_wait3A_39 = arith.constant 0 : i32
      %dma_wait3A_40 = arith.constant 0 : i32
      %dma_wait3A_41 = tpu.memref_slice %arg7[%dma_wait3A, %dma_wait3A_39, %dma_wait3A_40] : memref<2x128x128xf32, #tpu.memory_space<vmem>> -> memref<1x128x128xf32, #tpu.memory_space<vmem>>
      %dma_wait3A_42 = tpu.memref_squeeze %dma_wait3A_41 : memref<1x128x128xf32, #tpu.memory_space<vmem>> -> memref<128x128xf32, #tpu.memory_space<vmem>>
      %dma_wait3A_43 = arith.constant 0 : i32
      %dma_wait3A_44 = tpu.memref_slice %arg5[%add3A_38, %dma_wait3A_43] : memref<64x128xi32, #tpu.memory_space<vmem>> -> memref<1x128xi32, #tpu.memory_space<vmem>>
      %dma_wait3A_45 = tpu.memref_squeeze %dma_wait3A_44 : memref<1x128xi32, #tpu.memory_space<vmem>> -> memref<128xi32, #tpu.memory_space<vmem>>
      %dma_wait3A_46 = arith.constant 0 : i32
      %dma_wait3A_47 = arith.constant 0 : i32
      %dma_wait3A_48 = tpu.memref_slice %arg6[%dma_wait3A_46, %dma_wait3A_47] : memref<6x128xf32, #tpu.memory_space<vmem_shared>> -> memref<6x128xf32, #tpu.memory_space<vmem_shared>>
      tpu.wait_indirect_dma semaphore(%arg8 : memref<!tpu.dma_semaphore, #tpu.memory_space<semaphore_mem>>) src(%dma_wait3A_48 : memref<6x128xf32, #tpu.memory_space<vmem_shared>>) dst(%dma_wait3A_42 : memref<128x128xf32, #tpu.memory_space<vmem>>)
      %mul3A_49 = arith.constant 128 : i32
      %mul3A_50 = arith.muli %add3A_38, %mul3A_49 : i32
      %add3A_51 = arith.addi %mul3A_2, %mul3A_50 : i32
      %dma_start3A_52 = arith.constant 0 : i32
      %dma_start3A_53 = arith.constant 0 : i32
      %dma_start3A_54 = arith.constant 0 : i32
      %dma_start3A_55 = tpu.memref_slice %arg7[%dma_start3A_52, %dma_start3A_53, %dma_start3A_54] : memref<2x128x128xf32, #tpu.memory_space<vmem>> -> memref<1x128x128xf32, #tpu.memory_space<vmem>>
      %dma_start3A_56 = tpu.memref_squeeze %dma_start3A_55 : memref<1x128x128xf32, #tpu.memory_space<vmem>> -> memref<128x128xf32, #tpu.memory_space<vmem>>
      %dma_start3A_57 = arith.constant 0 : i32
      %dma_start3A_58 = tpu.memref_slice %arg4[%add3A_51, %dma_start3A_57] : memref<262144x128xf32, #tpu.memory_space<hbm>> -> memref<128x128xf32, #tpu.memory_space<hbm>>
      %dma_start3A_59 = arith.constant 0 : i32
      %dma_start3A_60 = tpu.memref_slice %arg4[%add3A_51, %dma_start3A_59] : memref<262144x128xf32, #tpu.memory_space<hbm>> -> memref<128x128xf32, #tpu.memory_space<hbm>>
      %dma_start3A_61 = arith.constant 0 : i32
      %dma_start3A_62 = arith.constant 0 : i32
      %dma_start3A_63 = tpu.memref_slice %arg7[%dma_start3A_52, %dma_start3A_61, %dma_start3A_62] : memref<2x128x128xf32, #tpu.memory_space<vmem>> -> memref<1x128x128xf32, #tpu.memory_space<vmem>>
      %dma_start3A_64 = tpu.memref_squeeze %dma_start3A_63 : memref<1x128x128xf32, #tpu.memory_space<vmem>> -> memref<128x128xf32, #tpu.memory_space<vmem>>
      tpu.enqueue_dma source(%dma_start3A_64 : memref<128x128xf32, #tpu.memory_space<vmem>>) target(%dma_start3A_60 : memref<128x128xf32, #tpu.memory_space<hbm>>) target_semaphore(%arg10 : memref<!tpu.dma_semaphore, #tpu.memory_space<semaphore_mem>>)
      %mul3A_65 = arith.constant 128 : i32
      %mul3A_66 = arith.muli %add3A_38, %mul3A_65 : i32
      %add3A_67 = arith.addi %mul3A_2, %mul3A_66 : i32
      %dma_wait3A_68 = arith.constant 0 : i32
      %dma_wait3A_69 = arith.constant 0 : i32
      %dma_wait3A_70 = arith.constant 0 : i32
      %dma_wait3A_71 = tpu.memref_slice %arg7[%dma_wait3A_68, %dma_wait3A_69, %dma_wait3A_70] : memref<2x128x128xf32, #tpu.memory_space<vmem>> -> memref<1x128x128xf32, #tpu.memory_space<vmem>>
      %dma_wait3A_72 = tpu.memref_squeeze %dma_wait3A_71 : memref<1x128x128xf32, #tpu.memory_space<vmem>> -> memref<128x128xf32, #tpu.memory_space<vmem>>
      %dma_wait3A_73 = arith.constant 0 : i32
      %dma_wait3A_74 = tpu.memref_slice %arg4[%add3A_67, %dma_wait3A_73] : memref<262144x128xf32, #tpu.memory_space<hbm>> -> memref<128x128xf32, #tpu.memory_space<hbm>>
      %dma_wait3A_75 = arith.constant 0 : i32
      %dma_wait3A_76 = tpu.memref_slice %arg4[%add3A_67, %dma_wait3A_75] : memref<262144x128xf32, #tpu.memory_space<hbm>> -> memref<128x128xf32, #tpu.memory_space<hbm>>
      %dma_wait3A_77 = arith.constant 0 : i32
      %dma_wait3A_78 = arith.constant 0 : i32
      %dma_wait3A_79 = tpu.memref_slice %arg7[%dma_wait3A_68, %dma_wait3A_77, %dma_wait3A_78] : memref<2x128x128xf32, #tpu.memory_space<vmem>> -> memref<1x128x128xf32, #tpu.memory_space<vmem>>
      %dma_wait3A_80 = tpu.memref_squeeze %dma_wait3A_79 : memref<1x128x128xf32, #tpu.memory_space<vmem>> -> memref<128x128xf32, #tpu.memory_space<vmem>>
      tpu.wait_dma2 semaphore(%arg10 : memref<!tpu.dma_semaphore, #tpu.memory_space<semaphore_mem>>) src(%dma_wait3A_80 : memref<128x128xf32, #tpu.memory_space<vmem>>) dst(%dma_wait3A_76 : memref<128x128xf32, #tpu.memory_space<hbm>>)
      %add3A_81 = arith.constant 2 : i32
      %add3A_82 = arith.addi %add3A_38, %add3A_81 : i32
      %lt3A = arith.constant 64 : i32
      %lt3A_83 = arith.cmpi slt, %add3A_82, %lt3A : i32
      %convert_element_type3A_84 = arith.extui %lt3A_83 : i1 to i32
      %cond3A_85 = arith.constant 0 : i32
      %cond3A_86 = arith.cmpi ne, %convert_element_type3A_84, %cond3A_85 : i32
      scf.if %cond3A_86 {
        %add3A_139 = arith.constant 2 : i32
        %add3A_140 = arith.addi %add3A_38, %add3A_139 : i32
        %dma_start3A_141 = arith.constant 0 : i32
        %dma_start3A_142 = arith.constant 0 : i32
        %dma_start3A_143 = arith.constant 0 : i32
        %dma_start3A_144 = tpu.memref_slice %arg7[%dma_start3A_141, %dma_start3A_142, %dma_start3A_143] : memref<2x128x128xf32, #tpu.memory_space<vmem>> -> memref<1x128x128xf32, #tpu.memory_space<vmem>>
        %dma_start3A_145 = tpu.memref_squeeze %dma_start3A_144 : memref<1x128x128xf32, #tpu.memory_space<vmem>> -> memref<128x128xf32, #tpu.memory_space<vmem>>
        %dma_start3A_146 = arith.constant 0 : i32
        %dma_start3A_147 = tpu.memref_slice %arg5[%add3A_140, %dma_start3A_146] : memref<64x128xi32, #tpu.memory_space<vmem>> -> memref<1x128xi32, #tpu.memory_space<vmem>>
        %dma_start3A_148 = tpu.memref_squeeze %dma_start3A_147 : memref<1x128xi32, #tpu.memory_space<vmem>> -> memref<128xi32, #tpu.memory_space<vmem>>
        %dma_start3A_149 = arith.constant 0 : i32
        %dma_start3A_150 = arith.constant 0 : i32
        %dma_start3A_151 = tpu.memref_slice %arg6[%dma_start3A_149, %dma_start3A_150] : memref<6x128xf32, #tpu.memory_space<vmem_shared>> -> memref<6x128xf32, #tpu.memory_space<vmem_shared>>
        tpu.enqueue_indirect_dma source(%dma_start3A_151 : memref<6x128xf32, #tpu.memory_space<vmem_shared>>) target(%dma_start3A_145 : memref<128x128xf32, #tpu.memory_space<vmem>>) offsets(%dma_start3A_148 : memref<128xi32, #tpu.memory_space<vmem>>) semaphore(%arg8 : memref<!tpu.dma_semaphore, #tpu.memory_space<semaphore_mem>>)
      } else {
      }
      %add3A_87 = arith.constant 1 : i32
      %add3A_88 = arith.addi %mul3A_36, %add3A_87 : i32
      %dma_wait3A_89 = arith.constant 1 : i32
      %dma_wait3A_90 = arith.constant 0 : i32
      %dma_wait3A_91 = arith.constant 0 : i32
      %dma_wait3A_92 = tpu.memref_slice %arg7[%dma_wait3A_89, %dma_wait3A_90, %dma_wait3A_91] : memref<2x128x128xf32, #tpu.memory_space<vmem>> -> memref<1x128x128xf32, #tpu.memory_space<vmem>>
      %dma_wait3A_93 = tpu.memref_squeeze %dma_wait3A_92 : memref<1x128x128xf32, #tpu.memory_space<vmem>> -> memref<128x128xf32, #tpu.memory_space<vmem>>
      %dma_wait3A_94 = arith.constant 0 : i32
      %dma_wait3A_95 = tpu.memref_slice %arg5[%add3A_88, %dma_wait3A_94] : memref<64x128xi32, #tpu.memory_space<vmem>> -> memref<1x128xi32, #tpu.memory_space<vmem>>
      %dma_wait3A_96 = tpu.memref_squeeze %dma_wait3A_95 : memref<1x128xi32, #tpu.memory_space<vmem>> -> memref<128xi32, #tpu.memory_space<vmem>>
      %dma_wait3A_97 = arith.constant 0 : i32
      %dma_wait3A_98 = arith.constant 0 : i32
      %dma_wait3A_99 = tpu.memref_slice %arg6[%dma_wait3A_97, %dma_wait3A_98] : memref<6x128xf32, #tpu.memory_space<vmem_shared>> -> memref<6x128xf32, #tpu.memory_space<vmem_shared>>
      tpu.wait_indirect_dma semaphore(%arg9 : memref<!tpu.dma_semaphore, #tpu.memory_space<semaphore_mem>>) src(%dma_wait3A_99 : memref<6x128xf32, #tpu.memory_space<vmem_shared>>) dst(%dma_wait3A_93 : memref<128x128xf32, #tpu.memory_space<vmem>>)
      %mul3A_100 = arith.constant 128 : i32
      %mul3A_101 = arith.muli %add3A_88, %mul3A_100 : i32
      %add3A_102 = arith.addi %mul3A_2, %mul3A_101 : i32
      %dma_start3A_103 = arith.constant 1 : i32
      %dma_start3A_104 = arith.constant 0 : i32
      %dma_start3A_105 = arith.constant 0 : i32
      %dma_start3A_106 = tpu.memref_slice %arg7[%dma_start3A_103, %dma_start3A_104, %dma_start3A_105] : memref<2x128x128xf32, #tpu.memory_space<vmem>> -> memref<1x128x128xf32, #tpu.memory_space<vmem>>
      %dma_start3A_107 = tpu.memref_squeeze %dma_start3A_106 : memref<1x128x128xf32, #tpu.memory_space<vmem>> -> memref<128x128xf32, #tpu.memory_space<vmem>>
      %dma_start3A_108 = arith.constant 0 : i32
      %dma_start3A_109 = tpu.memref_slice %arg4[%add3A_102, %dma_start3A_108] : memref<262144x128xf32, #tpu.memory_space<hbm>> -> memref<128x128xf32, #tpu.memory_space<hbm>>
      %dma_start3A_110 = arith.constant 0 : i32
      %dma_start3A_111 = tpu.memref_slice %arg4[%add3A_102, %dma_start3A_110] : memref<262144x128xf32, #tpu.memory_space<hbm>> -> memref<128x128xf32, #tpu.memory_space<hbm>>
      %dma_start3A_112 = arith.constant 0 : i32
      %dma_start3A_113 = arith.constant 0 : i32
      %dma_start3A_114 = tpu.memref_slice %arg7[%dma_start3A_103, %dma_start3A_112, %dma_start3A_113] : memref<2x128x128xf32, #tpu.memory_space<vmem>> -> memref<1x128x128xf32, #tpu.memory_space<vmem>>
      %dma_start3A_115 = tpu.memref_squeeze %dma_start3A_114 : memref<1x128x128xf32, #tpu.memory_space<vmem>> -> memref<128x128xf32, #tpu.memory_space<vmem>>
      tpu.enqueue_dma source(%dma_start3A_115 : memref<128x128xf32, #tpu.memory_space<vmem>>) target(%dma_start3A_111 : memref<128x128xf32, #tpu.memory_space<hbm>>) target_semaphore(%arg11 : memref<!tpu.dma_semaphore, #tpu.memory_space<semaphore_mem>>)
      %mul3A_116 = arith.constant 128 : i32
      %mul3A_117 = arith.muli %add3A_88, %mul3A_116 : i32
      %add3A_118 = arith.addi %mul3A_2, %mul3A_117 : i32
      %dma_wait3A_119 = arith.constant 1 : i32
      %dma_wait3A_120 = arith.constant 0 : i32
      %dma_wait3A_121 = arith.constant 0 : i32
      %dma_wait3A_122 = tpu.memref_slice %arg7[%dma_wait3A_119, %dma_wait3A_120, %dma_wait3A_121] : memref<2x128x128xf32, #tpu.memory_space<vmem>> -> memref<1x128x128xf32, #tpu.memory_space<vmem>>
      %dma_wait3A_123 = tpu.memref_squeeze %dma_wait3A_122 : memref<1x128x128xf32, #tpu.memory_space<vmem>> -> memref<128x128xf32, #tpu.memory_space<vmem>>
      %dma_wait3A_124 = arith.constant 0 : i32
      %dma_wait3A_125 = tpu.memref_slice %arg4[%add3A_118, %dma_wait3A_124] : memref<262144x128xf32, #tpu.memory_space<hbm>> -> memref<128x128xf32, #tpu.memory_space<hbm>>
      %dma_wait3A_126 = arith.constant 0 : i32
      %dma_wait3A_127 = tpu.memref_slice %arg4[%add3A_118, %dma_wait3A_126] : memref<262144x128xf32, #tpu.memory_space<hbm>> -> memref<128x128xf32, #tpu.memory_space<hbm>>
      %dma_wait3A_128 = arith.constant 0 : i32
      %dma_wait3A_129 = arith.constant 0 : i32
      %dma_wait3A_130 = tpu.memref_slice %arg7[%dma_wait3A_119, %dma_wait3A_128, %dma_wait3A_129] : memref<2x128x128xf32, #tpu.memory_space<vmem>> -> memref<1x128x128xf32, #tpu.memory_space<vmem>>
      %dma_wait3A_131 = tpu.memref_squeeze %dma_wait3A_130 : memref<1x128x128xf32, #tpu.memory_space<vmem>> -> memref<128x128xf32, #tpu.memory_space<vmem>>
      tpu.wait_dma2 semaphore(%arg11 : memref<!tpu.dma_semaphore, #tpu.memory_space<semaphore_mem>>) src(%dma_wait3A_131 : memref<128x128xf32, #tpu.memory_space<vmem>>) dst(%dma_wait3A_127 : memref<128x128xf32, #tpu.memory_space<hbm>>)
      %add3A_132 = arith.constant 2 : i32
      %add3A_133 = arith.addi %add3A_88, %add3A_132 : i32
      %lt3A_134 = arith.constant 64 : i32
      %lt3A_135 = arith.cmpi slt, %add3A_133, %lt3A_134 : i32
      %convert_element_type3A_136 = arith.extui %lt3A_135 : i1 to i32
      %cond3A_137 = arith.constant 0 : i32
      %cond3A_138 = arith.cmpi ne, %convert_element_type3A_136, %cond3A_137 : i32
      scf.if %cond3A_138 {
        %add3A_139 = arith.constant 2 : i32
        %add3A_140 = arith.addi %add3A_88, %add3A_139 : i32
        %dma_start3A_141 = arith.constant 1 : i32
        %dma_start3A_142 = arith.constant 0 : i32
        %dma_start3A_143 = arith.constant 0 : i32
        %dma_start3A_144 = tpu.memref_slice %arg7[%dma_start3A_141, %dma_start3A_142, %dma_start3A_143] : memref<2x128x128xf32, #tpu.memory_space<vmem>> -> memref<1x128x128xf32, #tpu.memory_space<vmem>>
        %dma_start3A_145 = tpu.memref_squeeze %dma_start3A_144 : memref<1x128x128xf32, #tpu.memory_space<vmem>> -> memref<128x128xf32, #tpu.memory_space<vmem>>
        %dma_start3A_146 = arith.constant 0 : i32
        %dma_start3A_147 = tpu.memref_slice %arg5[%add3A_140, %dma_start3A_146] : memref<64x128xi32, #tpu.memory_space<vmem>> -> memref<1x128xi32, #tpu.memory_space<vmem>>
        %dma_start3A_148 = tpu.memref_squeeze %dma_start3A_147 : memref<1x128xi32, #tpu.memory_space<vmem>> -> memref<128xi32, #tpu.memory_space<vmem>>
        %dma_start3A_149 = arith.constant 0 : i32
        %dma_start3A_150 = arith.constant 0 : i32
        %dma_start3A_151 = tpu.memref_slice %arg6[%dma_start3A_149, %dma_start3A_150] : memref<6x128xf32, #tpu.memory_space<vmem_shared>> -> memref<6x128xf32, #tpu.memory_space<vmem_shared>>
        tpu.enqueue_indirect_dma source(%dma_start3A_151 : memref<6x128xf32, #tpu.memory_space<vmem_shared>>) target(%dma_start3A_145 : memref<128x128xf32, #tpu.memory_space<vmem>>) offsets(%dma_start3A_148 : memref<128xi32, #tpu.memory_space<vmem>>) semaphore(%arg9 : memref<!tpu.dma_semaphore, #tpu.memory_space<semaphore_mem>>)
      } else {
      }
    }
    %scan3A_33 = arith.constant 32 : i32
    return
  }
}

</mosaic_0001>

<sc_bundles>
// kernel: kernel.3.cloned.1.call-start
scs
__scs_entry_jumppad:
0x0: {  	(pc) =	sbr.rel $0x88, $3  }
0x1: {  	(tag) =	ssettag $0x0;
	lr =	simm.s32 $0x1  }
0x2: {  	[smem:$0x3F9F] =	sst lr;
	_ =	strace $0xD0000000  }
0x3: {  	_ = 	snop  }
0x4: {  	_ = 	snop  }
0x5: {  	_ = 	snop  }
0x6: {  	_ = 	snop  }
0x7: {  	_ = 	snop  }
__scs_overlays_trampoline_lowered:
0x8: {  	[smem:$0x3FAE] =	sst s0  }
0x9: {  	[smem:$0x3FAF] =	sst s1  }
0xa: {  	[smem:$0x3FB0] =	sst s2  }
0xb: {  	[smem:$0x3FB1] =	sst s3  }
0xc: {  	[smem:$0x3FB2] =	sst s4  }
0xd: {  	[smem:$0x3FB3] =	sst s5  }
0xe: {  	[smem:$0x3FB4] =	sst s6  }
0xf: {  	[smem:$0x3FB5] =	sst s7  }
0x10: {  	[smem:$0x3FB6] =	sst s8  }
0x11: {  	[smem:$0x3FB7] =	sst s9;
	s0 =	simm.s32 @!p0 $0x0  }
0x12: {  	s1 =	sld [smem:$0x3F9D];
	s0 =	simm.s32 @p0 $0x1  }
0x13: {  	[smem:$0x3FB8] =	sst s0;
	s0 =	simm.s32 @!p1 $0x0  }
0x14: {  	s2 =	sld [smem:$0x3F9C];
	s0 =	simm.s32 @p1 $0x1  }
0x15: {  	[smem:$0x3FB9] =	sst s0;
	s0 =	simm.s32 @!p2 $0x0  }
0x16: {  	s3 =	sld [smem:$0x3FDB];
	s0 =	simm.s32 @p2 $0x1  }
0x17: {  	s4 =	simm.s32 $0x1BF5;
	[smem:$0x3FBB] =	sst s0  }
0x18: {  	s0 =	sld [smem:$0x3F9E];
	_ =	swait.ge [sflag:s4], $0x0  }
0x19: {  	s7 =	sld [smem:$0x3F9F]  }
0x1a: {  	s8 =	sadd.s32 $0xFFFFE003, lr  }
0x1b: {  	s9 =	sadd.s32 $0xFFFFFEF7, lr;
	s5 =	simm.s32 $0xFFFFFFFF;
	p2 =	slt.u32 s8, $0xFFFFF086  }
0x1c: {  	p1 =	slt.u32 s9, $0xF7A;
	s5 =	simm.s32 @!p2 $0x0  }
0x1d: {  	s5 =	simm.s32 @p1 $0x1;
	p0 =	seq.s32 s7, s2  }
0x1e: {  	s7 =	smul.u32 @!p0 $0xF7A, s2;
	p2 =	seq.s32 @!p0 s5, $0x0  }
0x1f: {  	s9 =	smul.u32 $0xF7A, s1;
	s8 =	simm.s32 @!p0 $0x1BF5;
	p2 =	por !p2, p0  }
0x20: {  	[sflag:s8] =	ssyncset.s32 @!p0 $0xFFFFF086;
	s6 =	sadd.s32 @!p0 s3, s7;
	s7 =	simm.s32 @!p0 $0x108  }
0x21: {  	s3 =	sadd.s32 s3, s9;
	s6 =	sadd.s32 @!p0 $0x88, s6;
	s7 =	simm.s32 @p2 $0x1082  }
0x22: {  	[simem:s7], [sflag:s8] =	dma.local @!p0 [hbm:s6], $0xF7A  }
0x23: {  	s9 =	sor.u32 $0xD0000000, s2;
	s6 =	simm.s32 $0x108;
	_ =	swait.ge @!p0 [sflag:s8], $0x0  }
0x24: {  	s3 =	sadd.s32 $0x88, s3;
	s6 =	simm.s32 @!p1 $0x1082;
	[sflag:s4] =	ssyncset.s32 $0xFFFFF086  }
0x25: {  	[simem:s6], [sflag:s4] =	dma.local [hbm:s3], $0xF7A  }
0x26: {  	[smem:$0x3F9F] =	sst s1;
	(tag) =	ssettag s2;
	_ =	strace s9  }
0x27: {  	s1 =	sld [smem:$0x3FAF]  }
0x28: {  	s2 =	sld [smem:$0x3FB0]  }
0x29: {  	s4 =	sld [smem:$0x3FB2]  }
0x2a: {  	p0 =	seq.s32 s5, $0x0;
	s5 =	sld [smem:$0x3FB3]  }
0x2b: {  	s6 =	sld [smem:$0x3FB4]  }
0x2c: {  	s7 =	sld [smem:$0x3FB5]  }
0x2d: {  	s3 =	simm.s32 $0x108;
	s8 =	sld [smem:$0x3FB6]  }
0x2e: {  	s3 =	simm.s32 @!p0 $0x1082;
	s9 =	sld [smem:$0x3FB7]  }
0x2f: {  	lr =	sadd.s32 s0, s3;
	s0 =	sld [smem:$0x3FAE]  }
0x30: {  	s3 =	sld [smem:$0x3FB1]  }
0x31: {  	[smem:$0x3FBA] =	sst s10  }
0x32: {  	s10 =	sld [smem:$0x3FB8];
	_ =	sdelay $0x3  }
0x33: {  	p0 =	seq.s32 s10, $0x1;
	s10 =	sld [smem:$0x3FBA];
	_ =	sdelay $0x3  }
0x34: {  	[smem:$0x3FBA] =	sst s10  }
0x35: {  	s10 =	sld [smem:$0x3FB9];
	_ =	sdelay $0x3  }
0x36: {  	p1 =	seq.s32 s10, $0x1;
	s10 =	sld [smem:$0x3FBA];
	_ =	sdelay $0x3  }
0x37: {  	[smem:$0x3FBA] =	sst s10  }
0x38: {  	s10 =	sld [smem:$0x3FBB]  }
0x39: {  	_ = 	snop;
	(pc) =	sbr.ind lr, $3  }
0x3a: {  	_ = 	snop  }
0x3b: {  	_ = 	snop  }
0x3c: {  	p2 =	seq.s32 s10, $0x1;
	s10 =	sld [smem:$0x3FBA]  }
0x3d: {  	_ =	shalt  }
0x3e: {  	_ =	shalt  }
0x3f: {  	_ =	shalt  }
0x40: {  	_ =	shalt  }
0x41: {  	_ =	shalt  }
0x42: {  	_ =	shalt  }
0x43: {  	_ =	shalt  }
0x44: {  	_ =	shalt  }
0x45: {  	_ =	shalt  }
0x46: {  	_ =	shalt  }
0x47: {  	_ =	shalt  }
0x48: {  	_ =	shalt  }
0x49: {  	_ =	shalt  }
0x4a: {  	_ =	shalt  }
0x4b: {  	_ =	shalt  }
0x4c: {  	_ =	shalt  }
0x4d: {  	_ =	shalt  }
0x4e: {  	_ =	shalt  }
0x4f: {  	_ =	shalt  }
0x50: {  	_ =	shalt  }
0x51: {  	_ =	shalt  }
0x52: {  	_ =	shalt  }
0x53: {  	_ =	shalt  }
0x54: {  	_ =	shalt  }
0x55: {  	_ =	shalt  }
0x56: {  	_ =	shalt  }
0x57: {  	_ =	shalt  }
0x58: {  	_ =	shalt  }
0x59: {  	_ =	shalt  }
0x5a: {  	_ =	shalt  }
0x5b: {  	_ =	shalt  }
0x5c: {  	_ =	shalt  }
0x5d: {  	_ =	shalt  }
0x5e: {  	_ =	shalt  }
0x5f: {  	_ =	shalt  }
0x60: {  	_ =	shalt  }
0x61: {  	_ =	shalt  }
0x62: {  	_ =	shalt  }
0x63: {  	_ =	shalt  }
0x64: {  	_ =	shalt  }
0x65: {  	_ =	shalt  }
0x66: {  	_ =	shalt  }
0x67: {  	_ =	shalt  }
0x68: {  	_ =	shalt  }
0x69: {  	_ =	shalt  }
0x6a: {  	_ =	shalt  }
0x6b: {  	_ =	shalt  }
0x6c: {  	_ =	shalt  }
0x6d: {  	_ =	shalt  }
0x6e: {  	_ =	shalt  }
0x6f: {  	_ =	shalt  }
0x70: {  	_ =	shalt  }
0x71: {  	_ =	shalt  }
0x72: {  	_ =	shalt  }
0x73: {  	_ =	shalt  }
0x74: {  	_ =	shalt  }
0x75: {  	_ =	shalt  }
0x76: {  	_ =	shalt  }
0x77: {  	_ =	shalt  }
0x78: {  	_ =	shalt  }
0x79: {  	_ =	shalt  }
0x7a: {  	_ =	shalt  }
0x7b: {  	_ =	shalt  }
0x7c: {  	_ =	shalt  }
0x7d: {  	_ =	shalt  }
0x7e: {  	_ =	shalt  }
0x7f: {  	_ =	shalt  }
0x80: {  	_ =	shalt  }
0x81: {  	_ =	shalt  }
0x82: {  	_ =	shalt  }
0x83: {  	_ =	shalt  }
0x84: {  	_ =	shalt  }
0x85: {  	_ =	shalt  }
0x86: {  	_ =	shalt  }
0x87: {  	_ =	shalt  }
.Lfunc_end0:
.L_simem_size_0:
called_computation_lowered:
.L_overlay_start_0:
0x88: {  	s2 =	sld [smem:$0x3FD9]  }
0x89: {  	s3 =	sld [smem:$0x3FFE];
	_ =	sdelay $0x1  }
0x8a: {  	s1 =	srdreg.scid  }
0x8b: {  	s0 =	sand.u32 $0x1, s1  }
0x8c: {  	s17 =	sshll.u32 s0, $0xA;
	s2 =	sadd.s32 s3, s2  }
0x8d: {  	s2 =	sadd.s32 s2, s17  }
0x8e: {  	[smem:$0x3FC6] =	sst s2  }
0x8f: {  	_ = 	snop  }
0x90: {  	s2 =	sld [smem:$0x3FC8]  }
0x91: {  	s18 =	sld [smem:$0x3FD0];
	(tm) =	ssettm $0x1  }
0x92: {  	s4 =	sld [smem:$0x3FFB];
	_ =	sdelay $0x3  }
0x93: {  	_ =	strace s4  }
0x94: {  	s4 =	sld [smem:$0x3FFC];
	_ =	sdelay $0x3  }
0x95: {  	_ =	strace s4  }
0x96: {  	s4 =	sld [smem:$0x3FFD];
	_ =	sdelay $0x3  }
0x97: {  	_ =	strace s4  }
0x98: {  	_ =	strace $0x8FFFFFFF  }
0x99: {  	s19 =	sld [smem:$0x3FDB];
	_ =	sdelay $0x1  }
0x9a: {  	s5 =	simm.s32 $_scs_section_size  }
0x9b: {  	s6 =	simm.s32 $_size__tile_overlayer_lowered;
	s7 =	simm.s32 $_tile_overlayer_lowered  }
0x9c: {  	s22 =	simm.s32 $0x1BFF;
	s21 =	sshll.u32 s7, $0x1;
	s4 =	sadd.s32 s5, s19  }
0x9d: {  	s8 =	simm.s32 $0x0;
	s20 =	sshll.u32 s6, $0x1;
	s6 =	sadd.s32 s21, s4  }
0x9e: {  	[timem:s8], [sflag:s22] =	dma.local [hbm:s6], s20  }
0x9f: {  	_ =	swait.ge [sflag:s22], s20  }
0xa0: {  	s5 =	ssub.s32 $0x0, s20;
	[sflag:s22] =	ssyncset.done $0x0  }
0xa1: {  	[sflag:s22] =	ssyncadd.s32 s5;
	_ =	sdelay $0x1  }
0xa2: {  	s23 =	simm.s32 $0x1B8B  }
0xa3: {  	_ =	swait.ge [sflag:s23], $0x1  }
0xa4: {  	[sflag:s23] =	ssyncset.done $0x0  }
0xa5: {  	s25 =	simm.s32 $0x1B8E;
	s24 =	sld [smem:$0x3FFE];
	[sflag:s23] =	ssyncadd.s32 $0xFFFFFFFF  }
0xa6: {  	s26 =	simm.s32 $execute0_lowered;
	[smem:$0x3FD2] =	sst s25  }
0xa7: {  	s6 =	sshll.u32 s26, $0x1;
	_ =	strace $0x80000046;
	[dreg:$0x1] =	wrdreg $0xFFFFFFFF  }
0xa8: {  	s28 =	simm.s32 $_size_execute0_lowered;
	s4 =	sadd.s32 s4, s6;
	[dreg:$0x0] =	wrdreg $0x0  }
0xa9: {  	s6 =	sshll.u32 s28, $0x1;
	[dreg:$0x2] =	wrdreg s4  }
0xaa: {  	[dreg:$0x3] =	wrdreg s6  }
0xab: {  	[dreg:$0x4] =	wrdreg $0xC0  }
0xac: {  	_ =	task [dreg:s8], $0x5FFFF  }
0xad: {  	[dreg:$0x1] =	wrdreg $0xFFFFFFFF  }
0xae: {  	[dreg:$0x0] =	wrdreg $0x60  }
0xaf: {  	[dreg:$0x2] =	wrdreg s24  }
0xb0: {  	[dreg:$0x3] =	wrdreg s2  }
0xb1: {  	[dreg:$0x4] =	wrdreg s18  }
0xb2: {  	[dreg:$0x5] =	wrdreg $0x20000  }
0xb3: {  	[dreg:$0x6] =	wrdreg $0x9  }
0xb4: {  	_ =	task.clear_ibuf [dreg:s8], $0x7FFFF;
	_ =	strace $0x90000046  }
0xb5: {  	s29 =	simm.s32 $0x9;
	_ =	strace $0x80000048  }
0xb6: {  	_ =	swait.ge [sflag:s29], $0x1  }
0xb7: {  	[sflag:s29] =	ssyncadd.s32 $0xFFFFFFFF  }
0xb8: {  	_ =	strace $0x90000048  }
0xb9: {  	_ =	sfence  }
0xba: {  	s30 =	sld [smem:$0x0];
	_ =	sdelay $0x2  }
0xbb: {  	s31 =	sshll.u32 s1, $0xD;
	s1 =	sshrl.u32 s1, $0x2  }
0xbc: {  	s3 =	sand.u32 $0x4000, s31;
	s1 =	sadd.s32 s1, s30  }
0xbd: {  	s0 =	sor.u32 s3, s0;
	s1 =	sshll.u32 s1, $0x11  }
0xbe: {  	s0 =	sor.u32 s1, s0  }
0xbf: {  	s0 =	sadd.s32 $0x8F2B, s0  }
0xc0: {  	[sflag:s0] =	ssyncadd.remote.s32 $0x1  }
0xc1: {  	_ =	sfence.sel $0xFFFF  }
0xc2: {  	[dreg:$0x0] =	wrdreg $0xFFFFFFFF;
	(pc) =	sbr.abs _section_cstart, $3  }
0xc3: {  	[dreg:$0x1] =	wrdreg $0xFFFFFFFF  }
0xc4: {  	_ =	task.clear_ibuf [dreg:s8], $0x2FFFF;
	_ =	strace $0x9FFFFFFF  }
0xc5: {  	(tm) =	ssettm $0x7FFFFFFF  }
tec
execute0_lowered:
.L_overlay_start_1:
0x0: {  	(tag) =	ssettag $0x1  }
0x1: {  	s4 =	rddreg [dreg:$0x0]  }
0x2: {  	s1 =	rddreg [dreg:$0x1]  }
0x3: {  	s7 =	rddreg [dreg:$0x2]  }
0x4: {  	s2 =	rddreg [dreg:$0x3]  }
0x5: {  	s0 =	rddreg [dreg:$0x4];
	s5 =	srdreg.scid  }
0x6: {  	s8 =	stileid.u32;
	s3 =	simm.s32 $0x0;
	s12 =	simm.s32 $0x2030  }
0x7: {  	s13 =	simm.s32 $0x6030;
	s14 =	simm.s32 $0x1;
	s15 =	simm.s32 $0x3  }
0x8: {  	s16 =	simm.s32 $0x2;
	s17 =	simm.s32 $0x4;
	s18 =	simm.s32 $0x0  }
0x9: {  	s9 =	sand.u32 $0x1, s5;
	s29 =	sshll.u32 s8, $0x1;
	[smem:$0x7FF] =	sst s3  }
0xa: {  	s11 =	sshll.u32 s8, $0x12;
	p0 =	sne.s32 s8, $0x0;
	s5 =	sor.u32 s9, s29  }
0xb: {  	_ =	strace $0x80000047;
	s10 =	ssub.s32 $0x2, s9;
	s11 =	sadd.s32 s11, s7  }
0xc: {  	s9 =	sshll.u32 s9, $0x11;
	s6 =	sshll.u32 s5, $0xA;
	s30 =	sshrl.u32 s10, $0x1  }
0xd: {  	s5 =	sshll.u32 s5, $0x11;
	s8 =	sadd.s32 s9, s11;
	s9 =	sshrl.u32 @!p0 s2, $0x3  }
0xe: {  	s11 =	simm.s32 $0x80;
	s4 =	sadd.s32 s6, s4;
	s6 =	ssub.s32 s10, s30  }
0xf: {  	s31 =	sadd.s32 s7, s5;
	s10 =	simm.s32 $0x5;
	s4 =	sadd.s32 $0x400, s4  }
0x10: {  	s5 =	smax.u32 s6, $0x1;
	s6 =	sadd.s32 $0x1F000, s31;
	s7 =	sadd.s32 $0x1F800, s31  }
.LBB2_1:
0x11: {  	s19 =	simm.s32 @!p0 $0x1C05  }
0x12: {  	[spmem:s9], [sflag:s19] =	dma.local @!p0 [hbm:s1], $0x60  }
0x13: {  	s19 =	simm.s32 @!p0 $0x5  }
0x14: {  	_ =	swait.ge @!p0 [sflag:s19], $0x60  }
0x15: {  	[sflag:s19] =	ssyncset.done @!p0 $0x0  }
0x16: {  	[sflag:s19] =	ssyncadd.s32 @!p0 $0xFFFFFFA0  }
0x17: {  	[tilespmem:s3], [sflag:$0x5] =	stream.linear.gather [hbm4b:s4+s3], $0x2000, $0x38;
	[tilespmem:$0xA030] =	vst v63  }
0x18: {  	_ =	swait.ge [sflag:s10], $0x2000  }
0x19: {  	[sflag:s10] =	ssyncset.done $0x0  }
0x1a: {  	[sflag:s10] =	ssyncadd.s32 $0xFFFFE000  }
0x1b: {  	[bflag:$0x0] =	sbarrier.arrive $0xFFFF  }
0x1c: {  	[tilespmem:s12], [sflag:$0x1] =	stream.indirect.gather [spmem:s2], $0x80, s3, s11, $0xb8;
	[tilespmem:$0xA030] =	vst v63  }
0x1d: {  	_ = 	snop  }
0x1e: {  	[tilespmem:s13], [sflag:$0x2] =	stream.indirect.gather [spmem:s2], $0x80, s11, s11, $0xb8;
	[tilespmem:$0xA030] =	vst v63  }
0x1f: {  	_ =	swait.ge [sflag:s14], $0x4000  }
0x20: {  	[sflag:s14] =	ssyncset.done $0x0  }
0x21: {  	s31 =	sadd.s32 $0x0, s8;
	[sflag:s14] =	ssyncadd.s32 $0xFFFFC000  }
0x22: {  	[hbm4b:s31+s3] =	stream.linear.scatter [tilespmem:s12], [sflag:$0x3], $0x4000, $0x38;
	[tilespmem:$0xA030] =	vst v63  }
0x23: {  	_ =	swait.ge [sflag:s15], $0x4000  }
0x24: {  	[sflag:s15] =	ssyncset.done $0x0  }
0x25: {  	s20 =	simm.s32 $0x100;
	[sflag:s15] =	ssyncadd.s32 $0xFFFFC000  }
0x26: {  	[tilespmem:s12], [sflag:$0x1] =	stream.indirect.gather [spmem:s2], $0x80, s20, s11, $0xb8;
	[tilespmem:$0xA030] =	vst v63  }
0x27: {  	_ =	swait.ge [sflag:s16], $0x4000  }
0x28: {  	[sflag:s16] =	ssyncset.done $0x0  }
0x29: {  	s19 =	sadd.s32 $0x800, s31;
	[sflag:s16] =	ssyncadd.s32 $0xFFFFC000  }
0x2a: {  	[hbm4b:s19+s3] =	stream.linear.scatter [tilespmem:s13], [sflag:$0x4], $0x4000, $0x38;
	[tilespmem:$0xA030] =	vst v63  }
0x2b: {  	_ =	swait.ge [sflag:s17], $0x4000  }
0x2c: {  	s21 =	simm.s32 $0x280;
	[sflag:s17] =	ssyncset.done $0x0  }
0x2d: {  	s20 =	simm.s32 $0x1000;
	s19 =	simm.s32 $0x180;
	[sflag:s17] =	ssyncadd.s32 $0xFFFFC000  }
.LBB2_2:
0x2e: {  	[tilespmem:s13], [sflag:$0x2] =	stream.indirect.gather [spmem:s2], $0x80, s19, s11, $0xb8;
	[tilespmem:$0xA030] =	vst v63  }
0x2f: {  	s22 =	smov.u32 s20;
	s19 =	smov.u32 s21  }
0x30: {  	p1 =	sne.s32 s20, $0x1E000;
	s20 =	sadd.s32 $0x1000, s20;
	_ =	swait.ge [sflag:s14], $0x4000  }
0x31: {  	[sflag:s14] =	ssyncset.done $0x0  }
0x32: {  	s22 =	sadd.s32 s22, s8;
	[sflag:s14] =	ssyncadd.s32 $0xFFFFC000  }
0x33: {  	[hbm4b:s22+s3] =	stream.linear.scatter [tilespmem:s12], [sflag:$0x3], $0x4000, $0x38;
	[tilespmem:$0xA030] =	vst v63  }
0x34: {  	_ =	swait.ge [sflag:s15], $0x4000  }
0x35: {  	[sflag:s15] =	ssyncset.done $0x0  }
0x36: {  	s23 =	sadd.s32 $0xFFFFFF80, s21;
	[sflag:s15] =	ssyncadd.s32 $0xFFFFC000  }
0x37: {  	[tilespmem:s12], [sflag:$0x1] =	stream.indirect.gather [spmem:s2], $0x80, s23, s11, $0xb8;
	[tilespmem:$0xA030] =	vst v63  }
0x38: {  	_ =	swait.ge [sflag:s16], $0x4000  }
0x39: {  	[sflag:s16] =	ssyncset.done $0x0  }
.Ltmp0:
0x3a: {  	s22 =	sadd.s32 $0x800, s22;
	[sflag:s16] =	ssyncadd.s32 $0xFFFFC000;
	(pc) =	sbr.rel @p1 .LBB2_2-.Ltmp0, $4  }
0x3b: {  	[hbm4b:s22+s3] =	stream.linear.scatter [tilespmem:s13], [sflag:$0x4], $0x4000, $0x38;
	[tilespmem:$0xA030] =	vst v63  }
0x3c: {  	_ =	swait.ge [sflag:s17], $0x4000  }
0x3d: {  	[sflag:s17] =	ssyncset.done $0x0  }
0x3e: {  	s21 =	sadd.s32 $0x100, s21;
	[sflag:s17] =	ssyncadd.s32 $0xFFFFC000  }
0x3f: {  	[tilespmem:s13], [sflag:$0x2] =	stream.indirect.gather [spmem:s2], $0x80, s19, s11, $0xb8;
	[tilespmem:$0xA030] =	vst v63  }
0x40: {  	_ =	swait.ge [sflag:s14], $0x4000  }
0x41: {  	[sflag:s14] =	ssyncset.done $0x0  }
0x42: {  	[sflag:s14] =	ssyncadd.s32 $0xFFFFC000  }
0x43: {  	[hbm4b:s6+s3] =	stream.linear.scatter [tilespmem:s12], [sflag:$0x3], $0x4000, $0x38;
	[tilespmem:$0xA030] =	vst v63  }
0x44: {  	_ =	swait.ge [sflag:s15], $0x4000  }
0x45: {  	[sflag:s15] =	ssyncset.done $0x0  }
0x46: {  	[sflag:s15] =	ssyncadd.s32 $0xFFFFC000  }
0x47: {  	s18 =	sadd.s32 $0x1, s18;
	_ =	swait.ge [sflag:s16], $0x4000  }
0x48: {  	p1 =	sne.s32 s18, s5;
	[sflag:s16] =	ssyncset.done $0x0  }
.Ltmp1:
0x49: {  	[sflag:s16] =	ssyncadd.s32 $0xFFFFC000;
	(pc) =	sbr.rel @p1 .LBB2_1-.Ltmp1, $4  }
0x4a: {  	[hbm4b:s7+s3] =	stream.linear.scatter [tilespmem:s13], [sflag:$0x4], $0x4000, $0x38;
	[tilespmem:$0xA030] =	vst v63  }
0x4b: {  	_ =	swait.ge [sflag:s17], $0x4000  }
0x4c: {  	[sflag:s17] =	ssyncset.done $0x0  }
0x4d: {  	[sflag:s17] =	ssyncadd.s32 $0xFFFFC000  }
0x4e: {  	_ =	sfence.sel $0x180000  }
0x4f: {  	[bflag:$0x0] =	sbarrier.arrive $0xFFFF  }
0x50: {  	_ =	strace $0x90000047  }
0x51: {  	s0 =	sadd.s32 @!p0 $0x100000, s0;
	[bflag:$0x2] =	sbarrier.arrive $0xFFFF  }
0x52: {  	[sflag:s0] =	ssyncadd.tile.s32 @!p0 $0x1;
	_ =	shalt  }
.Lfunc_end2:
_tile_overlayer_lowered:
.L_overlay_start_2:
0x53: {  	(tag) =	ssettag $0x2  }
0x54: {  	s0 =	rddreg [dreg:$0x0];
	s2 =	stileid.u32  }
0x55: {  	s1 =	rddreg [dreg:$0x1];
	p0 =	sne.s32 s2, $0x0  }
0x56: {  	s3 =	rddreg [dreg:$0x2];
	[bflag:$0x3] =	sbarrier.arrive $0xFFFF;
	s2 =	simm.s32 @!p0 $0x1C05  }
0x57: {  	[timem:s3], [sflag:s2] =	dma.local @!p0 [hbm:s0], s1  }
0x58: {  	s0 =	simm.s32 @!p0 $0x5  }
0x59: {  	_ =	swait.ge @!p0 [sflag:s0], s1  }
0x5a: {  	s1 =	ssub.s32 @!p0 $0x0, s1;
	[sflag:s0] =	ssyncset.done @!p0 $0x0  }
0x5b: {  	[sflag:s0] =	ssyncadd.s32 @!p0 s1  }
0x5c: {  	[bflag:$0x3] =	sbarrier.arrive $0xFFFF  }
0x5d: {  	_ =	shalt  }

</sc_bundles>
